<compile_context>
chip_gen: v7x
topology: tpu7x:2x2x1
jax: 0.10.2.dev20260603
libtpu: 0.0.44.dev20260713+nightly
codegen_flags: <defaults>
</compile_context>

<pallas_src>
import functools

import jax
import jax.numpy as jnp
from jax import lax
from jax.experimental import pallas as pl
from jax.experimental.pallas import tpu as pltpu
from jax.experimental.pallas import tpu_sc as plsc

_D = 32
_CODES = 8192
_TOKENS = 8192

_NC = 2
_NS = 16
_NW = _NC * _NS
_GW = 128
_CHUNKS = _TOKENS // (_NW * _GW)


_NLV = 16


@functools.cache
def _make_sc_gather():
    @functools.partial(
        pl.kernel,
        out_type=[
            jax.ShapeDtypeStruct((_TOKENS, _D), jnp.float32),
            jax.ShapeDtypeStruct((_NW, _NLV), jnp.float32),
        ],
        mesh=plsc.VectorSubcoreMesh(core_axis_name="c", subcore_axis_name="s"),
        scratch_types=[
            pltpu.VMEM((_CHUNKS, _GW), jnp.int32),
            pltpu.VMEM((_CHUNKS, _GW, _D), jnp.float32),
            pltpu.VMEM((_CHUNKS, _GW, _D), jnp.float32),
            pltpu.VMEM((_NLV,), jnp.float32),
            pltpu.SemaphoreType.DMA,
            pltpu.SemaphoreType.DMA,
        ],
        compiler_params=pltpu.CompilerParams(use_tc_tiling_on_sc=False),
    )
    def _sc_gather(table_hbm, idx_hbm, z_hbm, out_hbm, part_hbm,
                   idx_v, rows_v, z_v, acc_v, gsem, zsem):
        wid = lax.axis_index("s") * _NC + lax.axis_index("c")
        pltpu.sync_copy(idx_hbm.at[wid], idx_v)
        gathers = []
        zloads = []
        for j in range(_CHUNKS):
            r = wid * _CHUNKS + j
            gathers.append(pltpu.async_copy(
                table_hbm.at[idx_v.at[j]], rows_v.at[j], gsem))
            zloads.append(pltpu.async_copy(
                z_hbm.at[pl.ds(r * _GW, _GW)], z_v.at[j], zsem))
        acc_v[...] = jnp.zeros((_NLV,), jnp.float32)
        for j in range(_CHUNKS):
            r = wid * _CHUNKS + j
            gathers[j].wait()
            zloads[j].wait()

            @pl.loop(0, _GW)
            def _(t):
                for c in range(_D // _NLV):
                    sl = pl.ds(c * _NLV, _NLV)
                    zv = z_v[j, t, sl]
                    d = rows_v[j, t, sl] - zv
                    acc_v[...] = acc_v[...] + d * d
                    rows_v[j, t, sl] = zv + d

            pltpu.sync_copy(rows_v.at[j], out_hbm.at[pl.ds(r * _GW, _GW)])

        pltpu.sync_copy(acc_v, part_hbm.at[wid])

    return _sc_gather


def kernel(z, embeddings):
    input_shape = z.shape
    flat_z = z.reshape(-1, _D)
    z_norm = jnp.sum(flat_z ** 2, axis=1, keepdims=True)
    e_norm = jnp.sum(embeddings ** 2, axis=1)
    dist = z_norm + e_norm - 2.0 * jnp.matmul(flat_z, embeddings.T)
    idx_flat = jnp.argmin(dist, axis=1).astype(jnp.int32)

    qst_flat, partials = _make_sc_gather()(
        embeddings, idx_flat.reshape(_NW, _CHUNKS, _GW), flat_z)
    vq_loss = 1.5 * jnp.sum(partials) / (_TOKENS * _D)

    quantized_st = qst_flat.reshape(input_shape)
    idx_out = idx_flat.reshape((input_shape[0],) + tuple(input_shape[2:]))
    return (quantized_st, vq_loss, idx_out)

# --- scband reference (transcript-rebuilt; emitter-appended) ---
"""Pipeline reference for scband-vector-quantizer-14929306320975 (READ-ONLY COPY).

The authoritative reference and input builder live on the scoring server;
editing this copy changes nothing except your own understanding.
"""

import jax, jax.numpy as jnp
import numpy as np

NUM_EMBEDDINGS = 8192
EMBEDDING_DIM = 32
COMMITMENT_COST = 0.5


def setup_inputs(seed: int = 0) -> dict:
    key = jax.random.key(seed)
    k1, k2 = jax.random.split(key)
    z = jax.random.normal(k1, (8, 32, 32, 32), dtype=jnp.float32)
    emb = jax.random.normal(k2, (NUM_EMBEDDINGS, EMBEDDING_DIM), dtype=jnp.float32)
    emb = emb / jnp.linalg.norm(emb, axis=1, keepdims=True)
    return {"z": z, "embeddings": emb}


def reference(z, embeddings):
    # Eval-mode forward of VectorQuantizer (EMA / restart branches are training-only)
    input_shape = z.shape
    flat_z = z.reshape(-1, EMBEDDING_DIM)
    z_norm = jnp.sum(flat_z ** 2, axis=1, keepdims=True)
    e_norm = jnp.sum(embeddings ** 2, axis=1)
    dist = z_norm + e_norm - 2.0 * jnp.matmul(flat_z, embeddings.T)
    encoding_indices = jnp.argmin(dist, axis=1)
    encodings = jax.nn.one_hot(encoding_indices, NUM_EMBEDDINGS, dtype=flat_z.dtype)
    quantized = jnp.matmul(encodings, embeddings).reshape(input_shape)
    e_latent_loss = jnp.mean((jax.lax.stop_gradient(quantized) - z) ** 2)
    q_latent_loss = jnp.mean((quantized - jax.lax.stop_gradient(z)) ** 2)
    vq_loss = q_latent_loss + COMMITMENT_COST * e_latent_loss
    quantized_st = z + jax.lax.stop_gradient(quantized - z)
    idx_out = encoding_indices.reshape((input_shape[0],) + tuple(input_shape[2:]))
    return (quantized_st, vq_loss, idx_out)

if __name__ == "__main__":
    import jax
    _d = setup_inputs()
    print(jax.jit(kernel)(*tuple(_d.values())))

</pallas_src>

<mosaic_0001>
#map = affine_map<(d0, d1) -> (0, 0)>
#map1 = affine_map<(d0, d1) -> (0, 0, 0)>
module attributes {stable_mosaic.version = 14 : i64} {
  func.func @_sc_gather(%arg0: i32, %arg1: i32, %arg2: memref<8192x32xf32, #tpu.memory_space<hbm>>, %arg3: memref<32x2x128xi32, #tpu.memory_space<hbm>>, %arg4: memref<8192x32xf32, #tpu.memory_space<hbm>>, %arg5: memref<8192x32xf32, #tpu.memory_space<hbm>>, %arg6: memref<32x16xf32, #tpu.memory_space<hbm>>, %arg7: memref<2x128xi32, #tpu.memory_space<vmem>>, %arg8: memref<2x128x32xf32, #tpu.memory_space<vmem>>, %arg9: memref<2x128x32xf32, #tpu.memory_space<vmem>>, %arg10: memref<16xf32, #tpu.memory_space<vmem>>, %arg11: memref<!tpu.dma_semaphore, #tpu.memory_space<semaphore_mem>>, %arg12: memref<!tpu.dma_semaphore, #tpu.memory_space<semaphore_mem>>) attributes {dimension_semantics = [#tpu.dimension_semantics<core_parallel>, #tpu.dimension_semantics<subcore_parallel>], iteration_bounds = array<i64: 2, 16>, scalar_prefetch = 0 : i64, scratch_operands = 6 : i64, tpu.core_type = #tpu.core_type<sc_vector_subcore>, window_params = [{transform_indices = #map}, {transform_indices = #map1}, {transform_indices = #map}, {transform_indices = #map}, {transform_indices = #map}]} {
    %mul3A = arith.constant 2 : i32
    %mul3A_0 = arith.muli %arg1, %mul3A : i32
    %add3A = arith.addi %mul3A_0, %arg0 : i32
    "tpu.region"() ({
      %run_scoped3A_137 = tpu.sem_alloc : memref<!tpu.dma_semaphore, #tpu.memory_space<semaphore_mem>>
      %dma_start3A_138 = arith.constant 0 : i32
      %dma_start3A_139 = arith.constant 0 : i32
      %dma_start3A_140 = tpu.memref_slice %arg3[%add3A, %dma_start3A_138, %dma_start3A_139] : memref<32x2x128xi32, #tpu.memory_space<hbm>> -> memref<1x2x128xi32, #tpu.memory_space<hbm>>
      %dma_start3A_141 = tpu.memref_squeeze %dma_start3A_140 : memref<1x2x128xi32, #tpu.memory_space<hbm>> -> memref<2x128xi32, #tpu.memory_space<hbm>>
      %dma_start3A_142 = arith.constant 0 : i32
      %dma_start3A_143 = arith.constant 0 : i32
      %dma_start3A_144 = tpu.memref_slice %arg3[%add3A, %dma_start3A_142, %dma_start3A_143] : memref<32x2x128xi32, #tpu.memory_space<hbm>> -> memref<1x2x128xi32, #tpu.memory_space<hbm>>
      %dma_start3A_145 = tpu.memref_squeeze %dma_start3A_144 : memref<1x2x128xi32, #tpu.memory_space<hbm>> -> memref<2x128xi32, #tpu.memory_space<hbm>>
      tpu.enqueue_dma source(%dma_start3A_145 : memref<2x128xi32, #tpu.memory_space<hbm>>) target(%arg7 : memref<2x128xi32, #tpu.memory_space<vmem>>) target_semaphore(%run_scoped3A_137 : memref<!tpu.dma_semaphore, #tpu.memory_space<semaphore_mem>>)
      %dma_wait3A_146 = arith.constant 0 : i32
      %dma_wait3A_147 = arith.constant 0 : i32
      %dma_wait3A_148 = tpu.memref_slice %arg3[%add3A, %dma_wait3A_146, %dma_wait3A_147] : memref<32x2x128xi32, #tpu.memory_space<hbm>> -> memref<1x2x128xi32, #tpu.memory_space<hbm>>
      %dma_wait3A_149 = tpu.memref_squeeze %dma_wait3A_148 : memref<1x2x128xi32, #tpu.memory_space<hbm>> -> memref<2x128xi32, #tpu.memory_space<hbm>>
      %dma_wait3A_150 = arith.constant 0 : i32
      %dma_wait3A_151 = arith.constant 0 : i32
      %dma_wait3A_152 = tpu.memref_slice %arg3[%add3A, %dma_wait3A_150, %dma_wait3A_151] : memref<32x2x128xi32, #tpu.memory_space<hbm>> -> memref<1x2x128xi32, #tpu.memory_space<hbm>>
      %dma_wait3A_153 = tpu.memref_squeeze %dma_wait3A_152 : memref<1x2x128xi32, #tpu.memory_space<hbm>> -> memref<2x128xi32, #tpu.memory_space<hbm>>
      tpu.wait_dma2 semaphore(%run_scoped3A_137 : memref<!tpu.dma_semaphore, #tpu.memory_space<semaphore_mem>>) src(%dma_wait3A_153 : memref<2x128xi32, #tpu.memory_space<hbm>>) dst(%arg7 : memref<2x128xi32, #tpu.memory_space<vmem>>)
      tpu.yield
    }) : () -> ()
    %mul3A_1 = arith.constant 2 : i32
    %mul3A_2 = arith.muli %add3A, %mul3A_1 : i32
    %add3A_3 = arith.constant 0 : i32
    %add3A_4 = arith.addi %mul3A_2, %add3A_3 : i32
    %dma_start3A = arith.constant 0 : i32
    %dma_start3A_5 = arith.constant 0 : i32
    %dma_start3A_6 = arith.constant 0 : i32
    %dma_start3A_7 = arith.constant 0 : i32
    %dma_start3A_8 = tpu.memref_slice %arg8[%dma_start3A_5, %dma_start3A_6, %dma_start3A_7] : memref<2x128x32xf32, #tpu.memory_space<vmem>> -> memref<1x128x32xf32, #tpu.memory_space<vmem>>
    %dma_start3A_9 = tpu.memref_squeeze %dma_start3A_8 : memref<1x128x32xf32, #tpu.memory_space<vmem>> -> memref<128x32xf32, #tpu.memory_space<vmem>>
    %dma_start3A_10 = arith.constant 0 : i32
    %dma_start3A_11 = tpu.memref_slice %arg7[%dma_start3A, %dma_start3A_10] : memref<2x128xi32, #tpu.memory_space<vmem>> -> memref<1x128xi32, #tpu.memory_space<vmem>>
    %dma_start3A_12 = tpu.memref_squeeze %dma_start3A_11 : memref<1x128xi32, #tpu.memory_space<vmem>> -> memref<128xi32, #tpu.memory_space<vmem>>
    %dma_start3A_13 = arith.constant 0 : i32
    %dma_start3A_14 = arith.constant 0 : i32
    %dma_start3A_15 = tpu.memref_slice %arg2[%dma_start3A_13, %dma_start3A_14] : memref<8192x32xf32, #tpu.memory_space<hbm>> -> memref<8192x32xf32, #tpu.memory_space<hbm>>
    tpu.enqueue_indirect_dma source(%dma_start3A_15 : memref<8192x32xf32, #tpu.memory_space<hbm>>) target(%dma_start3A_9 : memref<128x32xf32, #tpu.memory_space<vmem>>) offsets(%dma_start3A_12 : memref<128xi32, #tpu.memory_space<vmem>>) semaphore(%arg11 : memref<!tpu.dma_semaphore, #tpu.memory_space<semaphore_mem>>)
    %mul3A_16 = arith.constant 128 : i32
    %mul3A_17 = arith.muli %add3A_4, %mul3A_16 : i32
    %dma_start3A_18 = arith.constant 0 : i32
    %dma_start3A_19 = arith.constant 0 : i32
    %dma_start3A_20 = arith.constant 0 : i32
    %dma_start3A_21 = tpu.memref_slice %arg9[%dma_start3A_18, %dma_start3A_19, %dma_start3A_20] : memref<2x128x32xf32, #tpu.memory_space<vmem>> -> memref<1x128x32xf32, #tpu.memory_space<vmem>>
    %dma_start3A_22 = tpu.memref_squeeze %dma_start3A_21 : memref<1x128x32xf32, #tpu.memory_space<vmem>> -> memref<128x32xf32, #tpu.memory_space<vmem>>
    %dma_start3A_23 = arith.constant 0 : i32
    %dma_start3A_24 = tpu.memref_slice %arg4[%mul3A_17, %dma_start3A_23] : memref<8192x32xf32, #tpu.memory_space<hbm>> -> memref<128x32xf32, #tpu.memory_space<hbm>>
    %dma_start3A_25 = arith.constant 0 : i32
    %dma_start3A_26 = arith.constant 0 : i32
    %dma_start3A_27 = tpu.memref_slice %arg9[%dma_start3A_18, %dma_start3A_25, %dma_start3A_26] : memref<2x128x32xf32, #tpu.memory_space<vmem>> -> memref<1x128x32xf32, #tpu.memory_space<vmem>>
    %dma_start3A_28 = tpu.memref_squeeze %dma_start3A_27 : memref<1x128x32xf32, #tpu.memory_space<vmem>> -> memref<128x32xf32, #tpu.memory_space<vmem>>
    %dma_start3A_29 = arith.constant 0 : i32
    %dma_start3A_30 = tpu.memref_slice %arg4[%mul3A_17, %dma_start3A_29] : memref<8192x32xf32, #tpu.memory_space<hbm>> -> memref<128x32xf32, #tpu.memory_space<hbm>>
    tpu.enqueue_dma source(%dma_start3A_30 : memref<128x32xf32, #tpu.memory_space<hbm>>) target(%dma_start3A_28 : memref<128x32xf32, #tpu.memory_space<vmem>>) target_semaphore(%arg12 : memref<!tpu.dma_semaphore, #tpu.memory_space<semaphore_mem>>)
    %mul3A_31 = arith.constant 2 : i32
    %mul3A_32 = arith.muli %add3A, %mul3A_31 : i32
    %add3A_33 = arith.constant 1 : i32
    %add3A_34 = arith.addi %mul3A_32, %add3A_33 : i32
    %dma_start3A_35 = arith.constant 1 : i32
    %dma_start3A_36 = arith.constant 1 : i32
    %dma_start3A_37 = arith.constant 0 : i32
    %dma_start3A_38 = arith.constant 0 : i32
    %dma_start3A_39 = tpu.memref_slice %arg8[%dma_start3A_36, %dma_start3A_37, %dma_start3A_38] : memref<2x128x32xf32, #tpu.memory_space<vmem>> -> memref<1x128x32xf32, #tpu.memory_space<vmem>>
    %dma_start3A_40 = tpu.memref_squeeze %dma_start3A_39 : memref<1x128x32xf32, #tpu.memory_space<vmem>> -> memref<128x32xf32, #tpu.memory_space<vmem>>
    %dma_start3A_41 = arith.constant 0 : i32
    %dma_start3A_42 = tpu.memref_slice %arg7[%dma_start3A_35, %dma_start3A_41] : memref<2x128xi32, #tpu.memory_space<vmem>> -> memref<1x128xi32, #tpu.memory_space<vmem>>
    %dma_start3A_43 = tpu.memref_squeeze %dma_start3A_42 : memref<1x128xi32, #tpu.memory_space<vmem>> -> memref<128xi32, #tpu.memory_space<vmem>>
    %dma_start3A_44 = arith.constant 0 : i32
    %dma_start3A_45 = arith.constant 0 : i32
    %dma_start3A_46 = tpu.memref_slice %arg2[%dma_start3A_44, %dma_start3A_45] : memref<8192x32xf32, #tpu.memory_space<hbm>> -> memref<8192x32xf32, #tpu.memory_space<hbm>>
    tpu.enqueue_indirect_dma source(%dma_start3A_46 : memref<8192x32xf32, #tpu.memory_space<hbm>>) target(%dma_start3A_40 : memref<128x32xf32, #tpu.memory_space<vmem>>) offsets(%dma_start3A_43 : memref<128xi32, #tpu.memory_space<vmem>>) semaphore(%arg11 : memref<!tpu.dma_semaphore, #tpu.memory_space<semaphore_mem>>)
    %mul3A_47 = arith.constant 128 : i32
    %mul3A_48 = arith.muli %add3A_34, %mul3A_47 : i32
    %dma_start3A_49 = arith.constant 1 : i32
    %dma_start3A_50 = arith.constant 0 : i32
    %dma_start3A_51 = arith.constant 0 : i32
    %dma_start3A_52 = tpu.memref_slice %arg9[%dma_start3A_49, %dma_start3A_50, %dma_start3A_51] : memref<2x128x32xf32, #tpu.memory_space<vmem>> -> memref<1x128x32xf32, #tpu.memory_space<vmem>>
    %dma_start3A_53 = tpu.memref_squeeze %dma_start3A_52 : memref<1x128x32xf32, #tpu.memory_space<vmem>> -> memref<128x32xf32, #tpu.memory_space<vmem>>
    %dma_start3A_54 = arith.constant 0 : i32
    %dma_start3A_55 = tpu.memref_slice %arg4[%mul3A_48, %dma_start3A_54] : memref<8192x32xf32, #tpu.memory_space<hbm>> -> memref<128x32xf32, #tpu.memory_space<hbm>>
    %dma_start3A_56 = arith.constant 0 : i32
    %dma_start3A_57 = arith.constant 0 : i32
    %dma_start3A_58 = tpu.memref_slice %arg9[%dma_start3A_49, %dma_start3A_56, %dma_start3A_57] : memref<2x128x32xf32, #tpu.memory_space<vmem>> -> memref<1x128x32xf32, #tpu.memory_space<vmem>>
    %dma_start3A_59 = tpu.memref_squeeze %dma_start3A_58 : memref<1x128x32xf32, #tpu.memory_space<vmem>> -> memref<128x32xf32, #tpu.memory_space<vmem>>
    %dma_start3A_60 = arith.constant 0 : i32
    %dma_start3A_61 = tpu.memref_slice %arg4[%mul3A_48, %dma_start3A_60] : memref<8192x32xf32, #tpu.memory_space<hbm>> -> memref<128x32xf32, #tpu.memory_space<hbm>>
    tpu.enqueue_dma source(%dma_start3A_61 : memref<128x32xf32, #tpu.memory_space<hbm>>) target(%dma_start3A_59 : memref<128x32xf32, #tpu.memory_space<vmem>>) target_semaphore(%arg12 : memref<!tpu.dma_semaphore, #tpu.memory_space<semaphore_mem>>)
    %broadcast_in_dim3A = arith.constant 0.000000e+00 : f32
    %broadcast_in_dim3A_62 = vector.broadcast %broadcast_in_dim3A : f32 to vector<16xf32>
    %swap3A = arith.constant 0 : index
    %swap3A_63 = tpu.vector_load %arg10[%swap3A] {strides = array<i32>} : memref<16xf32, #tpu.memory_space<vmem>>, vector<16xf32>,
    %swap3A_64 = vector.shape_cast %swap3A_63 : vector<16xf32> to vector<16xf32>
    %swap3A_65 = vector.shape_cast %broadcast_in_dim3A_62 : vector<16xf32> to vector<16xf32>
    tpu.vector_store %arg10[%swap3A], %swap3A_65 {strides = array<i32>} : memref<16xf32, #tpu.memory_space<vmem>>, vector<16xf32>,
    %mul3A_66 = arith.constant 2 : i32
    %mul3A_67 = arith.muli %add3A, %mul3A_66 : i32
    %add3A_68 = arith.constant 0 : i32
    %add3A_69 = arith.addi %mul3A_67, %add3A_68 : i32
    %dma_wait3A = arith.constant 0 : i32
    %dma_wait3A_70 = arith.constant 0 : i32
    %dma_wait3A_71 = arith.constant 0 : i32
    %dma_wait3A_72 = arith.constant 0 : i32
    %dma_wait3A_73 = tpu.memref_slice %arg8[%dma_wait3A_70, %dma_wait3A_71, %dma_wait3A_72] : memref<2x128x32xf32, #tpu.memory_space<vmem>> -> memref<1x128x32xf32, #tpu.memory_space<vmem>>
    %dma_wait3A_74 = tpu.memref_squeeze %dma_wait3A_73 : memref<1x128x32xf32, #tpu.memory_space<vmem>> -> memref<128x32xf32, #tpu.memory_space<vmem>>
    %dma_wait3A_75 = arith.constant 0 : i32
    %dma_wait3A_76 = tpu.memref_slice %arg7[%dma_wait3A, %dma_wait3A_75] : memref<2x128xi32, #tpu.memory_space<vmem>> -> memref<1x128xi32, #tpu.memory_space<vmem>>
    %dma_wait3A_77 = tpu.memref_squeeze %dma_wait3A_76 : memref<1x128xi32, #tpu.memory_space<vmem>> -> memref<128xi32, #tpu.memory_space<vmem>>
    %dma_wait3A_78 = arith.constant 0 : i32
    %dma_wait3A_79 = arith.constant 0 : i32
    %dma_wait3A_80 = tpu.memref_slice %arg2[%dma_wait3A_78, %dma_wait3A_79] : memref<8192x32xf32, #tpu.memory_space<hbm>> -> memref<8192x32xf32, #tpu.memory_space<hbm>>
    tpu.wait_indirect_dma semaphore(%arg11 : memref<!tpu.dma_semaphore, #tpu.memory_space<semaphore_mem>>) src(%dma_wait3A_80 : memref<8192x32xf32, #tpu.memory_space<hbm>>) dst(%dma_wait3A_74 : memref<128x32xf32, #tpu.memory_space<vmem>>)
    %dma_wait3A_81 = arith.constant 0 : i32
    %dma_wait3A_82 = arith.constant 0 : i32
    %dma_wait3A_83 = arith.constant 0 : i32
    %dma_wait3A_84 = tpu.memref_slice %arg9[%dma_wait3A_81, %dma_wait3A_82, %dma_wait3A_83] : memref<2x128x32xf32, #tpu.memory_space<vmem>> -> memref<1x128x32xf32, #tpu.memory_space<vmem>>
    %dma_wait3A_85 = tpu.memref_squeeze %dma_wait3A_84 : memref<1x128x32xf32, #tpu.memory_space<vmem>> -> memref<128x32xf32, #tpu.memory_space<vmem>>
    %dma_wait3A_86 = arith.constant 0 : i32
    %dma_wait3A_87 = tpu.memref_slice %arg4[%mul3A_17, %dma_wait3A_86] : memref<8192x32xf32, #tpu.memory_space<hbm>> -> memref<128x32xf32, #tpu.memory_space<hbm>>
    %dma_wait3A_88 = arith.constant 0 : i32
    %dma_wait3A_89 = arith.constant 0 : i32
    %dma_wait3A_90 = tpu.memref_slice %arg9[%dma_wait3A_81, %dma_wait3A_88, %dma_wait3A_89] : memref<2x128x32xf32, #tpu.memory_space<vmem>> -> memref<1x128x32xf32, #tpu.memory_space<vmem>>
    %dma_wait3A_91 = tpu.memref_squeeze %dma_wait3A_90 : memref<1x128x32xf32, #tpu.memory_space<vmem>> -> memref<128x32xf32, #tpu.memory_space<vmem>>
    %dma_wait3A_92 = arith.constant 0 : i32
    %dma_wait3A_93 = tpu.memref_slice %arg4[%mul3A_17, %dma_wait3A_92] : memref<8192x32xf32, #tpu.memory_space<hbm>> -> memref<128x32xf32, #tpu.memory_space<hbm>>
    tpu.wait_dma2 semaphore(%arg12 : memref<!tpu.dma_semaphore, #tpu.memory_space<semaphore_mem>>) src(%dma_wait3A_93 : memref<128x32xf32, #tpu.memory_space<hbm>>) dst(%dma_wait3A_91 : memref<128x32xf32, #tpu.memory_space<vmem>>)
    %scan3A = arith.constant 0 : i32
    %scan3A_94 = arith.constant 128 : i32
    %scan3A_95 = arith.addi %scan3A, %scan3A_94 : i32
    %scan3A_96 = arith.constant 1 : i32
    scf.for %scan3A_137 = %scan3A to %scan3A_95 step %scan3A_96  : i32 {
      %mul3A_138 = arith.constant 1 : i32
      %mul3A_139 = arith.muli %scan3A_137, %mul3A_138 : i32
      %add3A_140 = arith.constant 0 : i32
      %add3A_141 = arith.addi %add3A_140, %mul3A_139 : i32
      %get3A = arith.constant 0 : i32
      %get3A_142 = arith.index_cast %get3A : i32 to index
      %get3A_143 = arith.index_cast %add3A_141 : i32 to index
      %get3A_144 = arith.constant 0 : index
      %get3A_145 = tpu.vector_load %arg9[%get3A_142, %get3A_143, %get3A_144] {strides = array<i32>} : memref<2x128x32xf32, #tpu.memory_space<vmem>>, vector<1x1x16xf32>,
      %get3A_146 = vector.shape_cast %get3A_145 : vector<1x1x16xf32> to vector<16xf32>
      %get3A_147 = arith.constant 0 : i32
      %get3A_148 = arith.index_cast %get3A_147 : i32 to index
      %get3A_149 = arith.index_cast %add3A_141 : i32 to index
      %get3A_150 = arith.constant 0 : index
      %get3A_151 = tpu.vector_load %arg8[%get3A_148, %get3A_149, %get3A_150] {strides = array<i32>} : memref<2x128x32xf32, #tpu.memory_space<vmem>>, vector<1x1x16xf32>,
      %get3A_152 = vector.shape_cast %get3A_151 : vector<1x1x16xf32> to vector<16xf32>
      %sub3A = arith.subf %get3A_152, %get3A_146 : vector<16xf32>
      %get3A_153 = arith.constant 0 : index
      %get3A_154 = tpu.vector_load %arg10[%get3A_153] {strides = array<i32>} : memref<16xf32, #tpu.memory_space<vmem>>, vector<16xf32>,
      %get3A_155 = vector.shape_cast %get3A_154 : vector<16xf32> to vector<16xf32>
      %mul3A_156 = arith.mulf %sub3A, %sub3A : vector<16xf32>
      %add3A_157 = arith.addf %get3A_155, %mul3A_156 : vector<16xf32>
      %swap3A_158 = arith.constant 0 : index
      %swap3A_159 = tpu.vector_load %arg10[%swap3A_158] {strides = array<i32>} : memref<16xf32, #tpu.memory_space<vmem>>, vector<16xf32>,
      %swap3A_160 = vector.shape_cast %swap3A_159 : vector<16xf32> to vector<16xf32>
      %swap3A_161 = vector.shape_cast %add3A_157 : vector<16xf32> to vector<16xf32>
      tpu.vector_store %arg10[%swap3A_158], %swap3A_161 {strides = array<i32>} : memref<16xf32, #tpu.memory_space<vmem>>, vector<16xf32>,
      %add3A_162 = arith.addf %get3A_146, %sub3A : vector<16xf32>
      %swap3A_163 = arith.constant 0 : i32
      %swap3A_164 = arith.index_cast %swap3A_163 : i32 to index
      %swap3A_165 = arith.index_cast %add3A_141 : i32 to index
      %swap3A_166 = arith.constant 0 : index
      %swap3A_167 = tpu.vector_load %arg8[%swap3A_164, %swap3A_165, %swap3A_166] {strides = array<i32>} : memref<2x128x32xf32, #tpu.memory_space<vmem>>, vector<1x1x16xf32>,
      %swap3A_168 = vector.shape_cast %swap3A_167 : vector<1x1x16xf32> to vector<16xf32>
      %swap3A_169 = vector.shape_cast %add3A_162 : vector<16xf32> to vector<1x1x16xf32>
      tpu.vector_store %arg8[%swap3A_164, %swap3A_165, %swap3A_166], %swap3A_169 {strides = array<i32>} : memref<2x128x32xf32, #tpu.memory_space<vmem>>, vector<1x1x16xf32>,
      %get3A_170 = arith.constant 0 : i32
      %get3A_171 = arith.index_cast %get3A_170 : i32 to index
      %get3A_172 = arith.index_cast %add3A_141 : i32 to index
      %get3A_173 = arith.constant 16 : index
      %get3A_174 = tpu.vector_load %arg9[%get3A_171, %get3A_172, %get3A_173] {strides = array<i32>} : memref<2x128x32xf32, #tpu.memory_space<vmem>>, vector<1x1x16xf32>,
      %get3A_175 = vector.shape_cast %get3A_174 : vector<1x1x16xf32> to vector<16xf32>
      %get3A_176 = arith.constant 0 : i32
      %get3A_177 = arith.index_cast %get3A_176 : i32 to index
      %get3A_178 = arith.index_cast %add3A_141 : i32 to index
      %get3A_179 = arith.constant 16 : index
      %get3A_180 = tpu.vector_load %arg8[%get3A_177, %get3A_178, %get3A_179] {strides = array<i32>} : memref<2x128x32xf32, #tpu.memory_space<vmem>>, vector<1x1x16xf32>,
      %get3A_181 = vector.shape_cast %get3A_180 : vector<1x1x16xf32> to vector<16xf32>
      %sub3A_182 = arith.subf %get3A_181, %get3A_175 : vector<16xf32>
      %get3A_183 = arith.constant 0 : index
      %get3A_184 = tpu.vector_load %arg10[%get3A_183] {strides = array<i32>} : memref<16xf32, #tpu.memory_space<vmem>>, vector<16xf32>,
      %get3A_185 = vector.shape_cast %get3A_184 : vector<16xf32> to vector<16xf32>
      %mul3A_186 = arith.mulf %sub3A_182, %sub3A_182 : vector<16xf32>
      %add3A_187 = arith.addf %get3A_185, %mul3A_186 : vector<16xf32>
      %swap3A_188 = arith.constant 0 : index
      %swap3A_189 = tpu.vector_load %arg10[%swap3A_188] {strides = array<i32>} : memref<16xf32, #tpu.memory_space<vmem>>, vector<16xf32>,
      %swap3A_190 = vector.shape_cast %swap3A_189 : vector<16xf32> to vector<16xf32>
      %swap3A_191 = vector.shape_cast %add3A_187 : vector<16xf32> to vector<16xf32>
      tpu.vector_store %arg10[%swap3A_188], %swap3A_191 {strides = array<i32>} : memref<16xf32, #tpu.memory_space<vmem>>, vector<16xf32>,
      %add3A_192 = arith.addf %get3A_175, %sub3A_182 : vector<16xf32>
      %swap3A_193 = arith.constant 0 : i32
      %swap3A_194 = arith.index_cast %swap3A_193 : i32 to index
      %swap3A_195 = arith.index_cast %add3A_141 : i32 to index
      %swap3A_196 = arith.constant 16 : index
      %swap3A_197 = tpu.vector_load %arg8[%swap3A_194, %swap3A_195, %swap3A_196] {strides = array<i32>} : memref<2x128x32xf32, #tpu.memory_space<vmem>>, vector<1x1x16xf32>,
      %swap3A_198 = vector.shape_cast %swap3A_197 : vector<1x1x16xf32> to vector<16xf32>
      %swap3A_199 = vector.shape_cast %add3A_192 : vector<16xf32> to vector<1x1x16xf32>
      tpu.vector_store %arg8[%swap3A_194, %swap3A_195, %swap3A_196], %swap3A_199 {strides = array<i32>} : memref<2x128x32xf32, #tpu.memory_space<vmem>>, vector<1x1x16xf32>,
    }
    %scan3A_97 = arith.constant 128 : i32
    %mul3A_98 = arith.constant 128 : i32
    %mul3A_99 = arith.muli %add3A_69, %mul3A_98 : i32
    %run_scoped3A = arith.constant 0 : i32
    "tpu.region"() ({
      %run_scoped3A_137 = tpu.sem_alloc : memref<!tpu.dma_semaphore, #tpu.memory_space<semaphore_mem>>
      %dma_start3A_138 = arith.constant 0 : i32
      %dma_start3A_139 = arith.constant 0 : i32
      %dma_start3A_140 = tpu.memref_slice %arg8[%run_scoped3A, %dma_start3A_138, %dma_start3A_139] : memref<2x128x32xf32, #tpu.memory_space<vmem>> -> memref<1x128x32xf32, #tpu.memory_space<vmem>>
      %dma_start3A_141 = tpu.memref_squeeze %dma_start3A_140 : memref<1x128x32xf32, #tpu.memory_space<vmem>> -> memref<128x32xf32, #tpu.memory_space<vmem>>
      %dma_start3A_142 = arith.constant 0 : i32
      %dma_start3A_143 = tpu.memref_slice %arg5[%mul3A_99, %dma_start3A_142] : memref<8192x32xf32, #tpu.memory_space<hbm>> -> memref<128x32xf32, #tpu.memory_space<hbm>>
      %dma_start3A_144 = arith.constant 0 : i32
      %dma_start3A_145 = tpu.memref_slice %arg5[%mul3A_99, %dma_start3A_144] : memref<8192x32xf32, #tpu.memory_space<hbm>> -> memref<128x32xf32, #tpu.memory_space<hbm>>
      %dma_start3A_146 = arith.constant 0 : i32
      %dma_start3A_147 = arith.constant 0 : i32
      %dma_start3A_148 = tpu.memref_slice %arg8[%run_scoped3A, %dma_start3A_146, %dma_start3A_147] : memref<2x128x32xf32, #tpu.memory_space<vmem>> -> memref<1x128x32xf32, #tpu.memory_space<vmem>>
      %dma_start3A_149 = tpu.memref_squeeze %dma_start3A_148 : memref<1x128x32xf32, #tpu.memory_space<vmem>> -> memref<128x32xf32, #tpu.memory_space<vmem>>
      tpu.enqueue_dma source(%dma_start3A_149 : memref<128x32xf32, #tpu.memory_space<vmem>>) target(%dma_start3A_145 : memref<128x32xf32, #tpu.memory_space<hbm>>) target_semaphore(%run_scoped3A_137 : memref<!tpu.dma_semaphore, #tpu.memory_space<semaphore_mem>>)
      %dma_wait3A_150 = arith.constant 0 : i32
      %dma_wait3A_151 = arith.constant 0 : i32
      %dma_wait3A_152 = tpu.memref_slice %arg8[%run_scoped3A, %dma_wait3A_150, %dma_wait3A_151] : memref<2x128x32xf32, #tpu.memory_space<vmem>> -> memref<1x128x32xf32, #tpu.memory_space<vmem>>
      %dma_wait3A_153 = tpu.memref_squeeze %dma_wait3A_152 : memref<1x128x32xf32, #tpu.memory_space<vmem>> -> memref<128x32xf32, #tpu.memory_space<vmem>>
      %dma_wait3A_154 = arith.constant 0 : i32
      %dma_wait3A_155 = tpu.memref_slice %arg5[%mul3A_99, %dma_wait3A_154] : memref<8192x32xf32, #tpu.memory_space<hbm>> -> memref<128x32xf32, #tpu.memory_space<hbm>>
      %dma_wait3A_156 = arith.constant 0 : i32
      %dma_wait3A_157 = tpu.memref_slice %arg5[%mul3A_99, %dma_wait3A_156] : memref<8192x32xf32, #tpu.memory_space<hbm>> -> memref<128x32xf32, #tpu.memory_space<hbm>>
      %dma_wait3A_158 = arith.constant 0 : i32
      %dma_wait3A_159 = arith.constant 0 : i32
      %dma_wait3A_160 = tpu.memref_slice %arg8[%run_scoped3A, %dma_wait3A_158, %dma_wait3A_159] : memref<2x128x32xf32, #tpu.memory_space<vmem>> -> memref<1x128x32xf32, #tpu.memory_space<vmem>>
      %dma_wait3A_161 = tpu.memref_squeeze %dma_wait3A_160 : memref<1x128x32xf32, #tpu.memory_space<vmem>> -> memref<128x32xf32, #tpu.memory_space<vmem>>
      tpu.wait_dma2 semaphore(%run_scoped3A_137 : memref<!tpu.dma_semaphore, #tpu.memory_space<semaphore_mem>>) src(%dma_wait3A_161 : memref<128x32xf32, #tpu.memory_space<vmem>>) dst(%dma_wait3A_157 : memref<128x32xf32, #tpu.memory_space<hbm>>)
      tpu.yield
    }) : () -> ()
    %mul3A_100 = arith.constant 2 : i32
    %mul3A_101 = arith.muli %add3A, %mul3A_100 : i32
    %add3A_102 = arith.constant 1 : i32
    %add3A_103 = arith.addi %mul3A_101, %add3A_102 : i32
    %dma_wait3A_104 = arith.constant 1 : i32
    %dma_wait3A_105 = arith.constant 1 : i32
    %dma_wait3A_106 = arith.constant 0 : i32
    %dma_wait3A_107 = arith.constant 0 : i32
    %dma_wait3A_108 = tpu.memref_slice %arg8[%dma_wait3A_105, %dma_wait3A_106, %dma_wait3A_107] : memref<2x128x32xf32, #tpu.memory_space<vmem>> -> memref<1x128x32xf32, #tpu.memory_space<vmem>>
    %dma_wait3A_109 = tpu.memref_squeeze %dma_wait3A_108 : memref<1x128x32xf32, #tpu.memory_space<vmem>> -> memref<128x32xf32, #tpu.memory_space<vmem>>
    %dma_wait3A_110 = arith.constant 0 : i32
    %dma_wait3A_111 = tpu.memref_slice %arg7[%dma_wait3A_104, %dma_wait3A_110] : memref<2x128xi32, #tpu.memory_space<vmem>> -> memref<1x128xi32, #tpu.memory_space<vmem>>
    %dma_wait3A_112 = tpu.memref_squeeze %dma_wait3A_111 : memref<1x128xi32, #tpu.memory_space<vmem>> -> memref<128xi32, #tpu.memory_space<vmem>>
    %dma_wait3A_113 = arith.constant 0 : i32
    %dma_wait3A_114 = arith.constant 0 : i32
    %dma_wait3A_115 = tpu.memref_slice %arg2[%dma_wait3A_113, %dma_wait3A_114] : memref<8192x32xf32, #tpu.memory_space<hbm>> -> memref<8192x32xf32, #tpu.memory_space<hbm>>
    tpu.wait_indirect_dma semaphore(%arg11 : memref<!tpu.dma_semaphore, #tpu.memory_space<semaphore_mem>>) src(%dma_wait3A_115 : memref<8192x32xf32, #tpu.memory_space<hbm>>) dst(%dma_wait3A_109 : memref<128x32xf32, #tpu.memory_space<vmem>>)
    %dma_wait3A_116 = arith.constant 1 : i32
    %dma_wait3A_117 = arith.constant 0 : i32
    %dma_wait3A_118 = arith.constant 0 : i32
    %dma_wait3A_119 = tpu.memref_slice %arg9[%dma_wait3A_116, %dma_wait3A_117, %dma_wait3A_118] : memref<2x128x32xf32, #tpu.memory_space<vmem>> -> memref<1x128x32xf32, #tpu.memory_space<vmem>>
    %dma_wait3A_120 = tpu.memref_squeeze %dma_wait3A_119 : memref<1x128x32xf32, #tpu.memory_space<vmem>> -> memref<128x32xf32, #tpu.memory_space<vmem>>
    %dma_wait3A_121 = arith.constant 0 : i32
    %dma_wait3A_122 = tpu.memref_slice %arg4[%mul3A_48, %dma_wait3A_121] : memref<8192x32xf32, #tpu.memory_space<hbm>> -> memref<128x32xf32, #tpu.memory_space<hbm>>
    %dma_wait3A_123 = arith.constant 0 : i32
    %dma_wait3A_124 = arith.constant 0 : i32
    %dma_wait3A_125 = tpu.memref_slice %arg9[%dma_wait3A_116, %dma_wait3A_123, %dma_wait3A_124] : memref<2x128x32xf32, #tpu.memory_space<vmem>> -> memref<1x128x32xf32, #tpu.memory_space<vmem>>
    %dma_wait3A_126 = tpu.memref_squeeze %dma_wait3A_125 : memref<1x128x32xf32, #tpu.memory_space<vmem>> -> memref<128x32xf32, #tpu.memory_space<vmem>>
    %dma_wait3A_127 = arith.constant 0 : i32
    %dma_wait3A_128 = tpu.memref_slice %arg4[%mul3A_48, %dma_wait3A_127] : memref<8192x32xf32, #tpu.memory_space<hbm>> -> memref<128x32xf32, #tpu.memory_space<hbm>>
    tpu.wait_dma2 semaphore(%arg12 : memref<!tpu.dma_semaphore, #tpu.memory_space<semaphore_mem>>) src(%dma_wait3A_128 : memref<128x32xf32, #tpu.memory_space<hbm>>) dst(%dma_wait3A_126 : memref<128x32xf32, #tpu.memory_space<vmem>>)
    %scan3A_129 = arith.constant 0 : i32
    %scan3A_130 = arith.constant 128 : i32
    %scan3A_131 = arith.addi %scan3A_129, %scan3A_130 : i32
    %scan3A_132 = arith.constant 1 : i32
    scf.for %scan3A_137 = %scan3A_129 to %scan3A_131 step %scan3A_132  : i32 {
      %mul3A_138 = arith.constant 1 : i32
      %mul3A_139 = arith.muli %scan3A_137, %mul3A_138 : i32
      %add3A_140 = arith.constant 0 : i32
      %add3A_141 = arith.addi %add3A_140, %mul3A_139 : i32
      %get3A = arith.constant 1 : i32
      %get3A_142 = arith.index_cast %get3A : i32 to index
      %get3A_143 = arith.index_cast %add3A_141 : i32 to index
      %get3A_144 = arith.constant 0 : index
      %get3A_145 = tpu.vector_load %arg9[%get3A_142, %get3A_143, %get3A_144] {strides = array<i32>} : memref<2x128x32xf32, #tpu.memory_space<vmem>>, vector<1x1x16xf32>,
      %get3A_146 = vector.shape_cast %get3A_145 : vector<1x1x16xf32> to vector<16xf32>
      %get3A_147 = arith.constant 1 : i32
      %get3A_148 = arith.index_cast %get3A_147 : i32 to index
      %get3A_149 = arith.index_cast %add3A_141 : i32 to index
      %get3A_150 = arith.constant 0 : index
      %get3A_151 = tpu.vector_load %arg8[%get3A_148, %get3A_149, %get3A_150] {strides = array<i32>} : memref<2x128x32xf32, #tpu.memory_space<vmem>>, vector<1x1x16xf32>,
      %get3A_152 = vector.shape_cast %get3A_151 : vector<1x1x16xf32> to vector<16xf32>
      %sub3A = arith.subf %get3A_152, %get3A_146 : vector<16xf32>
      %get3A_153 = arith.constant 0 : index
      %get3A_154 = tpu.vector_load %arg10[%get3A_153] {strides = array<i32>} : memref<16xf32, #tpu.memory_space<vmem>>, vector<16xf32>,
      %get3A_155 = vector.shape_cast %get3A_154 : vector<16xf32> to vector<16xf32>
      %mul3A_156 = arith.mulf %sub3A, %sub3A : vector<16xf32>
      %add3A_157 = arith.addf %get3A_155, %mul3A_156 : vector<16xf32>
      %swap3A_158 = arith.constant 0 : index
      %swap3A_159 = tpu.vector_load %arg10[%swap3A_158] {strides = array<i32>} : memref<16xf32, #tpu.memory_space<vmem>>, vector<16xf32>,
      %swap3A_160 = vector.shape_cast %swap3A_159 : vector<16xf32> to vector<16xf32>
      %swap3A_161 = vector.shape_cast %add3A_157 : vector<16xf32> to vector<16xf32>
      tpu.vector_store %arg10[%swap3A_158], %swap3A_161 {strides = array<i32>} : memref<16xf32, #tpu.memory_space<vmem>>, vector<16xf32>,
      %add3A_162 = arith.addf %get3A_146, %sub3A : vector<16xf32>
      %swap3A_163 = arith.constant 1 : i32
      %swap3A_164 = arith.index_cast %swap3A_163 : i32 to index
      %swap3A_165 = arith.index_cast %add3A_141 : i32 to index
      %swap3A_166 = arith.constant 0 : index
      %swap3A_167 = tpu.vector_load %arg8[%swap3A_164, %swap3A_165, %swap3A_166] {strides = array<i32>} : memref<2x128x32xf32, #tpu.memory_space<vmem>>, vector<1x1x16xf32>,
      %swap3A_168 = vector.shape_cast %swap3A_167 : vector<1x1x16xf32> to vector<16xf32>
      %swap3A_169 = vector.shape_cast %add3A_162 : vector<16xf32> to vector<1x1x16xf32>
      tpu.vector_store %arg8[%swap3A_164, %swap3A_165, %swap3A_166], %swap3A_169 {strides = array<i32>} : memref<2x128x32xf32, #tpu.memory_space<vmem>>, vector<1x1x16xf32>,
      %get3A_170 = arith.constant 1 : i32
      %get3A_171 = arith.index_cast %get3A_170 : i32 to index
      %get3A_172 = arith.index_cast %add3A_141 : i32 to index
      %get3A_173 = arith.constant 16 : index
      %get3A_174 = tpu.vector_load %arg9[%get3A_171, %get3A_172, %get3A_173] {strides = array<i32>} : memref<2x128x32xf32, #tpu.memory_space<vmem>>, vector<1x1x16xf32>,
      %get3A_175 = vector.shape_cast %get3A_174 : vector<1x1x16xf32> to vector<16xf32>
      %get3A_176 = arith.constant 1 : i32
      %get3A_177 = arith.index_cast %get3A_176 : i32 to index
      %get3A_178 = arith.index_cast %add3A_141 : i32 to index
      %get3A_179 = arith.constant 16 : index
      %get3A_180 = tpu.vector_load %arg8[%get3A_177, %get3A_178, %get3A_179] {strides = array<i32>} : memref<2x128x32xf32, #tpu.memory_space<vmem>>, vector<1x1x16xf32>,
      %get3A_181 = vector.shape_cast %get3A_180 : vector<1x1x16xf32> to vector<16xf32>
      %sub3A_182 = arith.subf %get3A_181, %get3A_175 : vector<16xf32>
      %get3A_183 = arith.constant 0 : index
      %get3A_184 = tpu.vector_load %arg10[%get3A_183] {strides = array<i32>} : memref<16xf32, #tpu.memory_space<vmem>>, vector<16xf32>,
      %get3A_185 = vector.shape_cast %get3A_184 : vector<16xf32> to vector<16xf32>
      %mul3A_186 = arith.mulf %sub3A_182, %sub3A_182 : vector<16xf32>
      %add3A_187 = arith.addf %get3A_185, %mul3A_186 : vector<16xf32>
      %swap3A_188 = arith.constant 0 : index
      %swap3A_189 = tpu.vector_load %arg10[%swap3A_188] {strides = array<i32>} : memref<16xf32, #tpu.memory_space<vmem>>, vector<16xf32>,
      %swap3A_190 = vector.shape_cast %swap3A_189 : vector<16xf32> to vector<16xf32>
      %swap3A_191 = vector.shape_cast %add3A_187 : vector<16xf32> to vector<16xf32>
      tpu.vector_store %arg10[%swap3A_188], %swap3A_191 {strides = array<i32>} : memref<16xf32, #tpu.memory_space<vmem>>, vector<16xf32>,
      %add3A_192 = arith.addf %get3A_175, %sub3A_182 : vector<16xf32>
      %swap3A_193 = arith.constant 1 : i32
      %swap3A_194 = arith.index_cast %swap3A_193 : i32 to index
      %swap3A_195 = arith.index_cast %add3A_141 : i32 to index
      %swap3A_196 = arith.constant 16 : index
      %swap3A_197 = tpu.vector_load %arg8[%swap3A_194, %swap3A_195, %swap3A_196] {strides = array<i32>} : memref<2x128x32xf32, #tpu.memory_space<vmem>>, vector<1x1x16xf32>,
      %swap3A_198 = vector.shape_cast %swap3A_197 : vector<1x1x16xf32> to vector<16xf32>
      %swap3A_199 = vector.shape_cast %add3A_192 : vector<16xf32> to vector<1x1x16xf32>
      tpu.vector_store %arg8[%swap3A_194, %swap3A_195, %swap3A_196], %swap3A_199 {strides = array<i32>} : memref<2x128x32xf32, #tpu.memory_space<vmem>>, vector<1x1x16xf32>,
    }
    %scan3A_133 = arith.constant 128 : i32
    %mul3A_134 = arith.constant 128 : i32
    %mul3A_135 = arith.muli %add3A_103, %mul3A_134 : i32
    %run_scoped3A_136 = arith.constant 1 : i32
    "tpu.region"() ({
      %run_scoped3A_137 = tpu.sem_alloc : memref<!tpu.dma_semaphore, #tpu.memory_space<semaphore_mem>>
      %dma_start3A_138 = arith.constant 0 : i32
      %dma_start3A_139 = arith.constant 0 : i32
      %dma_start3A_140 = tpu.memref_slice %arg8[%run_scoped3A_136, %dma_start3A_138, %dma_start3A_139] : memref<2x128x32xf32, #tpu.memory_space<vmem>> -> memref<1x128x32xf32, #tpu.memory_space<vmem>>
      %dma_start3A_141 = tpu.memref_squeeze %dma_start3A_140 : memref<1x128x32xf32, #tpu.memory_space<vmem>> -> memref<128x32xf32, #tpu.memory_space<vmem>>
      %dma_start3A_142 = arith.constant 0 : i32
      %dma_start3A_143 = tpu.memref_slice %arg5[%mul3A_135, %dma_start3A_142] : memref<8192x32xf32, #tpu.memory_space<hbm>> -> memref<128x32xf32, #tpu.memory_space<hbm>>
      %dma_start3A_144 = arith.constant 0 : i32
      %dma_start3A_145 = tpu.memref_slice %arg5[%mul3A_135, %dma_start3A_144] : memref<8192x32xf32, #tpu.memory_space<hbm>> -> memref<128x32xf32, #tpu.memory_space<hbm>>
      %dma_start3A_146 = arith.constant 0 : i32
      %dma_start3A_147 = arith.constant 0 : i32
      %dma_start3A_148 = tpu.memref_slice %arg8[%run_scoped3A_136, %dma_start3A_146, %dma_start3A_147] : memref<2x128x32xf32, #tpu.memory_space<vmem>> -> memref<1x128x32xf32, #tpu.memory_space<vmem>>
      %dma_start3A_149 = tpu.memref_squeeze %dma_start3A_148 : memref<1x128x32xf32, #tpu.memory_space<vmem>> -> memref<128x32xf32, #tpu.memory_space<vmem>>
      tpu.enqueue_dma source(%dma_start3A_149 : memref<128x32xf32, #tpu.memory_space<vmem>>) target(%dma_start3A_145 : memref<128x32xf32, #tpu.memory_space<hbm>>) target_semaphore(%run_scoped3A_137 : memref<!tpu.dma_semaphore, #tpu.memory_space<semaphore_mem>>)
      %dma_wait3A_150 = arith.constant 0 : i32
      %dma_wait3A_151 = arith.constant 0 : i32
      %dma_wait3A_152 = tpu.memref_slice %arg8[%run_scoped3A_136, %dma_wait3A_150, %dma_wait3A_151] : memref<2x128x32xf32, #tpu.memory_space<vmem>> -> memref<1x128x32xf32, #tpu.memory_space<vmem>>
      %dma_wait3A_153 = tpu.memref_squeeze %dma_wait3A_152 : memref<1x128x32xf32, #tpu.memory_space<vmem>> -> memref<128x32xf32, #tpu.memory_space<vmem>>
      %dma_wait3A_154 = arith.constant 0 : i32
      %dma_wait3A_155 = tpu.memref_slice %arg5[%mul3A_135, %dma_wait3A_154] : memref<8192x32xf32, #tpu.memory_space<hbm>> -> memref<128x32xf32, #tpu.memory_space<hbm>>
      %dma_wait3A_156 = arith.constant 0 : i32
      %dma_wait3A_157 = tpu.memref_slice %arg5[%mul3A_135, %dma_wait3A_156] : memref<8192x32xf32, #tpu.memory_space<hbm>> -> memref<128x32xf32, #tpu.memory_space<hbm>>
      %dma_wait3A_158 = arith.constant 0 : i32
      %dma_wait3A_159 = arith.constant 0 : i32
      %dma_wait3A_160 = tpu.memref_slice %arg8[%run_scoped3A_136, %dma_wait3A_158, %dma_wait3A_159] : memref<2x128x32xf32, #tpu.memory_space<vmem>> -> memref<1x128x32xf32, #tpu.memory_space<vmem>>
      %dma_wait3A_161 = tpu.memref_squeeze %dma_wait3A_160 : memref<1x128x32xf32, #tpu.memory_space<vmem>> -> memref<128x32xf32, #tpu.memory_space<vmem>>
      tpu.wait_dma2 semaphore(%run_scoped3A_137 : memref<!tpu.dma_semaphore, #tpu.memory_space<semaphore_mem>>) src(%dma_wait3A_161 : memref<128x32xf32, #tpu.memory_space<vmem>>) dst(%dma_wait3A_157 : memref<128x32xf32, #tpu.memory_space<hbm>>)
      tpu.yield
    }) : () -> ()
    "tpu.region"() ({
      %run_scoped3A_137 = tpu.sem_alloc : memref<!tpu.dma_semaphore, #tpu.memory_space<semaphore_mem>>
      %dma_start3A_138 = arith.constant 0 : i32
      %dma_start3A_139 = tpu.memref_slice %arg6[%add3A, %dma_start3A_138] : memref<32x16xf32, #tpu.memory_space<hbm>> -> memref<1x16xf32, #tpu.memory_space<hbm>>
      %dma_start3A_140 = tpu.memref_squeeze %dma_start3A_139 : memref<1x16xf32, #tpu.memory_space<hbm>> -> memref<16xf32, #tpu.memory_space<hbm>>
      %dma_start3A_141 = arith.constant 0 : i32
      %dma_start3A_142 = tpu.memref_slice %arg6[%add3A, %dma_start3A_141] : memref<32x16xf32, #tpu.memory_space<hbm>> -> memref<1x16xf32, #tpu.memory_space<hbm>>
      %dma_start3A_143 = tpu.memref_squeeze %dma_start3A_142 : memref<1x16xf32, #tpu.memory_space<hbm>> -> memref<16xf32, #tpu.memory_space<hbm>>
      tpu.enqueue_dma source(%arg10 : memref<16xf32, #tpu.memory_space<vmem>>) target(%dma_start3A_143 : memref<16xf32, #tpu.memory_space<hbm>>) target_semaphore(%run_scoped3A_137 : memref<!tpu.dma_semaphore, #tpu.memory_space<semaphore_mem>>)
      %dma_wait3A_144 = arith.constant 0 : i32
      %dma_wait3A_145 = tpu.memref_slice %arg6[%add3A, %dma_wait3A_144] : memref<32x16xf32, #tpu.memory_space<hbm>> -> memref<1x16xf32, #tpu.memory_space<hbm>>
      %dma_wait3A_146 = tpu.memref_squeeze %dma_wait3A_145 : memref<1x16xf32, #tpu.memory_space<hbm>> -> memref<16xf32, #tpu.memory_space<hbm>>
      %dma_wait3A_147 = arith.constant 0 : i32
      %dma_wait3A_148 = tpu.memref_slice %arg6[%add3A, %dma_wait3A_147] : memref<32x16xf32, #tpu.memory_space<hbm>> -> memref<1x16xf32, #tpu.memory_space<hbm>>
      %dma_wait3A_149 = tpu.memref_squeeze %dma_wait3A_148 : memref<1x16xf32, #tpu.memory_space<hbm>> -> memref<16xf32, #tpu.memory_space<hbm>>
      tpu.wait_dma2 semaphore(%run_scoped3A_137 : memref<!tpu.dma_semaphore, #tpu.memory_space<semaphore_mem>>) src(%arg10 : memref<16xf32, #tpu.memory_space<vmem>>) dst(%dma_wait3A_149 : memref<16xf32, #tpu.memory_space<hbm>>)
      tpu.yield
    }) : () -> ()
    return
  }
}

</mosaic_0001>

<sc_bundles>
// kernel: kernel.3.cloned.1.call-start
scs
__scs_entry_jumppad:
0x0: {  	(pc) =	sbr.rel $0x88, $3  }
0x1: {  	(tag) =	ssettag $0x0;
	lr =	simm.s32 $0x1  }
0x2: {  	[smem:$0x3F9F] =	sst lr;
	_ =	strace $0xD0000000  }
0x3: {  	_ = 	snop  }
0x4: {  	_ = 	snop  }
0x5: {  	_ = 	snop  }
0x6: {  	_ = 	snop  }
0x7: {  	_ = 	snop  }
__scs_overlays_trampoline_lowered:
0x8: {  	[smem:$0x3FAE] =	sst s0  }
0x9: {  	[smem:$0x3FAF] =	sst s1  }
0xa: {  	[smem:$0x3FB0] =	sst s2  }
0xb: {  	[smem:$0x3FB1] =	sst s3  }
0xc: {  	[smem:$0x3FB2] =	sst s4  }
0xd: {  	[smem:$0x3FB3] =	sst s5  }
0xe: {  	[smem:$0x3FB4] =	sst s6  }
0xf: {  	[smem:$0x3FB5] =	sst s7  }
0x10: {  	[smem:$0x3FB6] =	sst s8  }
0x11: {  	[smem:$0x3FB7] =	sst s9;
	s0 =	simm.s32 @!p0 $0x0  }
0x12: {  	s1 =	sld [smem:$0x3F9D];
	s0 =	simm.s32 @p0 $0x1  }
0x13: {  	[smem:$0x3FB8] =	sst s0;
	s0 =	simm.s32 @!p1 $0x0  }
0x14: {  	s2 =	sld [smem:$0x3F9C];
	s0 =	simm.s32 @p1 $0x1  }
0x15: {  	[smem:$0x3FB9] =	sst s0;
	s0 =	simm.s32 @!p2 $0x0  }
0x16: {  	s3 =	sld [smem:$0x3FDB];
	s0 =	simm.s32 @p2 $0x1  }
0x17: {  	s4 =	simm.s32 $0x1BF5;
	[smem:$0x3FBB] =	sst s0  }
0x18: {  	s0 =	sld [smem:$0x3F9E];
	_ =	swait.ge [sflag:s4], $0x0  }
0x19: {  	s7 =	sld [smem:$0x3F9F]  }
0x1a: {  	s8 =	sadd.s32 $0xFFFFE003, lr  }
0x1b: {  	s9 =	sadd.s32 $0xFFFFFEF7, lr;
	s5 =	simm.s32 $0xFFFFFFFF;
	p2 =	slt.u32 s8, $0xFFFFF086  }
0x1c: {  	p1 =	slt.u32 s9, $0xF7A;
	s5 =	simm.s32 @!p2 $0x0  }
0x1d: {  	s5 =	simm.s32 @p1 $0x1;
	p0 =	seq.s32 s7, s2  }
0x1e: {  	s7 =	smul.u32 @!p0 $0xF7A, s2;
	p2 =	seq.s32 @!p0 s5, $0x0  }
0x1f: {  	s9 =	smul.u32 $0xF7A, s1;
	s8 =	simm.s32 @!p0 $0x1BF5;
	p2 =	por !p2, p0  }
0x20: {  	[sflag:s8] =	ssyncset.s32 @!p0 $0xFFFFF086;
	s6 =	sadd.s32 @!p0 s3, s7;
	s7 =	simm.s32 @!p0 $0x108  }
0x21: {  	s3 =	sadd.s32 s3, s9;
	s6 =	sadd.s32 @!p0 $0x88, s6;
	s7 =	simm.s32 @p2 $0x1082  }
0x22: {  	[simem:s7], [sflag:s8] =	dma.local @!p0 [hbm:s6], $0xF7A  }
0x23: {  	s9 =	sor.u32 $0xD0000000, s2;
	s6 =	simm.s32 $0x108;
	_ =	swait.ge @!p0 [sflag:s8], $0x0  }
0x24: {  	s3 =	sadd.s32 $0x88, s3;
	s6 =	simm.s32 @!p1 $0x1082;
	[sflag:s4] =	ssyncset.s32 $0xFFFFF086  }
0x25: {  	[simem:s6], [sflag:s4] =	dma.local [hbm:s3], $0xF7A  }
0x26: {  	[smem:$0x3F9F] =	sst s1;
	(tag) =	ssettag s2;
	_ =	strace s9  }
0x27: {  	s1 =	sld [smem:$0x3FAF]  }
0x28: {  	s2 =	sld [smem:$0x3FB0]  }
0x29: {  	s4 =	sld [smem:$0x3FB2]  }
0x2a: {  	p0 =	seq.s32 s5, $0x0;
	s5 =	sld [smem:$0x3FB3]  }
0x2b: {  	s6 =	sld [smem:$0x3FB4]  }
0x2c: {  	s7 =	sld [smem:$0x3FB5]  }
0x2d: {  	s3 =	simm.s32 $0x108;
	s8 =	sld [smem:$0x3FB6]  }
0x2e: {  	s3 =	simm.s32 @!p0 $0x1082;
	s9 =	sld [smem:$0x3FB7]  }
0x2f: {  	lr =	sadd.s32 s0, s3;
	s0 =	sld [smem:$0x3FAE]  }
0x30: {  	s3 =	sld [smem:$0x3FB1]  }
0x31: {  	[smem:$0x3FBA] =	sst s10  }
0x32: {  	s10 =	sld [smem:$0x3FB8];
	_ =	sdelay $0x3  }
0x33: {  	p0 =	seq.s32 s10, $0x1;
	s10 =	sld [smem:$0x3FBA];
	_ =	sdelay $0x3  }
0x34: {  	[smem:$0x3FBA] =	sst s10  }
0x35: {  	s10 =	sld [smem:$0x3FB9];
	_ =	sdelay $0x3  }
0x36: {  	p1 =	seq.s32 s10, $0x1;
	s10 =	sld [smem:$0x3FBA];
	_ =	sdelay $0x3  }
0x37: {  	[smem:$0x3FBA] =	sst s10  }
0x38: {  	s10 =	sld [smem:$0x3FBB]  }
0x39: {  	_ = 	snop;
	(pc) =	sbr.ind lr, $3  }
0x3a: {  	_ = 	snop  }
0x3b: {  	_ = 	snop  }
0x3c: {  	p2 =	seq.s32 s10, $0x1;
	s10 =	sld [smem:$0x3FBA]  }
0x3d: {  	_ =	shalt  }
0x3e: {  	_ =	shalt  }
0x3f: {  	_ =	shalt  }
0x40: {  	_ =	shalt  }
0x41: {  	_ =	shalt  }
0x42: {  	_ =	shalt  }
0x43: {  	_ =	shalt  }
0x44: {  	_ =	shalt  }
0x45: {  	_ =	shalt  }
0x46: {  	_ =	shalt  }
0x47: {  	_ =	shalt  }
0x48: {  	_ =	shalt  }
0x49: {  	_ =	shalt  }
0x4a: {  	_ =	shalt  }
0x4b: {  	_ =	shalt  }
0x4c: {  	_ =	shalt  }
0x4d: {  	_ =	shalt  }
0x4e: {  	_ =	shalt  }
0x4f: {  	_ =	shalt  }
0x50: {  	_ =	shalt  }
0x51: {  	_ =	shalt  }
0x52: {  	_ =	shalt  }
0x53: {  	_ =	shalt  }
0x54: {  	_ =	shalt  }
0x55: {  	_ =	shalt  }
0x56: {  	_ =	shalt  }
0x57: {  	_ =	shalt  }
0x58: {  	_ =	shalt  }
0x59: {  	_ =	shalt  }
0x5a: {  	_ =	shalt  }
0x5b: {  	_ =	shalt  }
0x5c: {  	_ =	shalt  }
0x5d: {  	_ =	shalt  }
0x5e: {  	_ =	shalt  }
0x5f: {  	_ =	shalt  }
0x60: {  	_ =	shalt  }
0x61: {  	_ =	shalt  }
0x62: {  	_ =	shalt  }
0x63: {  	_ =	shalt  }
0x64: {  	_ =	shalt  }
0x65: {  	_ =	shalt  }
0x66: {  	_ =	shalt  }
0x67: {  	_ =	shalt  }
0x68: {  	_ =	shalt  }
0x69: {  	_ =	shalt  }
0x6a: {  	_ =	shalt  }
0x6b: {  	_ =	shalt  }
0x6c: {  	_ =	shalt  }
0x6d: {  	_ =	shalt  }
0x6e: {  	_ =	shalt  }
0x6f: {  	_ =	shalt  }
0x70: {  	_ =	shalt  }
0x71: {  	_ =	shalt  }
0x72: {  	_ =	shalt  }
0x73: {  	_ =	shalt  }
0x74: {  	_ =	shalt  }
0x75: {  	_ =	shalt  }
0x76: {  	_ =	shalt  }
0x77: {  	_ =	shalt  }
0x78: {  	_ =	shalt  }
0x79: {  	_ =	shalt  }
0x7a: {  	_ =	shalt  }
0x7b: {  	_ =	shalt  }
0x7c: {  	_ =	shalt  }
0x7d: {  	_ =	shalt  }
0x7e: {  	_ =	shalt  }
0x7f: {  	_ =	shalt  }
0x80: {  	_ =	shalt  }
0x81: {  	_ =	shalt  }
0x82: {  	_ =	shalt  }
0x83: {  	_ =	shalt  }
0x84: {  	_ =	shalt  }
0x85: {  	_ =	shalt  }
0x86: {  	_ =	shalt  }
0x87: {  	_ =	shalt  }
.Lfunc_end0:
.L_simem_size_0:
called_computation_lowered:
.L_overlay_start_0:
0x88: {  	s2 =	sld [smem:$0x3FD9]  }
0x89: {  	s3 =	sld [smem:$0x3FFE];
	_ =	sdelay $0x1  }
0x8a: {  	s1 =	srdreg.scid  }
0x8b: {  	s0 =	sand.u32 $0x1, s1  }
0x8c: {  	s14 =	sshll.u32 s0, $0xA;
	s2 =	sadd.s32 s3, s2  }
0x8d: {  	s2 =	sadd.s32 s2, s14  }
0x8e: {  	[smem:$0x3FC6] =	sst s2  }
0x8f: {  	_ = 	snop  }
0x90: {  	s2 =	sld [smem:$0x3FD0];
	_ =	sdelay $0x2  }
0x91: {  	s15 =	simm.s32 $0xA;
	s4 =	simm.s32 $0x10  }
0x92: {  	[smem:s4], [sflag:s15] =	dma.local [hbm:s2], $0x1  }
0x93: {  	_ =	swait.eq [sflag:s15], $0x1  }
0x94: {  	[sflag:s15] =	ssyncset.done $0x0  }
0x95: {  	[sflag:s15] =	ssyncadd.s32 $0xFFFFFFFF  }
0x96: {  	s16 =	sld [smem:$0x10];
	(tm) =	ssettm $0x1  }
0x97: {  	s17 =	sld [smem:$0x3FFB];
	_ =	sdelay $0x3  }
0x98: {  	_ =	strace s17  }
0x99: {  	s3 =	sld [smem:$0x3FFC];
	_ =	sdelay $0x3  }
0x9a: {  	_ =	strace s3  }
0x9b: {  	s3 =	sld [smem:$0x3FFD];
	_ =	sdelay $0x3  }
0x9c: {  	_ =	strace s3  }
0x9d: {  	_ =	strace $0x8FFFFFFF  }
0x9e: {  	s18 =	sld [smem:$0x3FDB];
	_ =	sdelay $0x1  }
0x9f: {  	s19 =	simm.s32 $_scs_section_size  }
0xa0: {  	s5 =	simm.s32 $_size__tile_overlayer_lowered;
	s6 =	simm.s32 $_tile_overlayer_lowered  }
0xa1: {  	s22 =	simm.s32 $0x1BFF;
	s21 =	sshll.u32 s6, $0x1;
	s3 =	sadd.s32 s19, s18  }
0xa2: {  	s7 =	simm.s32 $0x0;
	s20 =	sshll.u32 s5, $0x1;
	s5 =	sadd.s32 s21, s3  }
0xa3: {  	[timem:s7], [sflag:s22] =	dma.local [hbm:s5], s20  }
0xa4: {  	_ =	swait.ge [sflag:s22], s20  }
0xa5: {  	s4 =	ssub.s32 $0x0, s20;
	[sflag:s22] =	ssyncset.done $0x0  }
0xa6: {  	[sflag:s22] =	ssyncadd.s32 s4;
	_ =	sdelay $0x1  }
0xa7: {  	s23 =	simm.s32 $0x1B8B  }
0xa8: {  	_ =	swait.ge [sflag:s23], $0x1  }
0xa9: {  	[sflag:s23] =	ssyncset.done $0x0  }
0xaa: {  	s25 =	simm.s32 $0x1B8E;
	s24 =	sld [smem:$0x3FFE];
	[sflag:s23] =	ssyncadd.s32 $0xFFFFFFFF  }
0xab: {  	s26 =	simm.s32 $execute0_lowered;
	[smem:$0x3FD2] =	sst s25  }
0xac: {  	s5 =	sshll.u32 s26, $0x1;
	_ =	strace $0x80000046;
	[dreg:$0x1] =	wrdreg $0xFFFFFFFF  }
0xad: {  	s28 =	simm.s32 $_size_execute0_lowered;
	s3 =	sadd.s32 s3, s5;
	[dreg:$0x0] =	wrdreg $0x0  }
0xae: {  	s5 =	sshll.u32 s28, $0x1;
	[dreg:$0x2] =	wrdreg s3  }
0xaf: {  	[dreg:$0x3] =	wrdreg s5  }
0xb0: {  	[dreg:$0x4] =	wrdreg $0xC0  }
0xb1: {  	_ =	task [dreg:s7], $0x5FFFF  }
0xb2: {  	[dreg:$0x1] =	wrdreg $0xFFFFFFFF  }
0xb3: {  	[dreg:$0x0] =	wrdreg $0x60  }
0xb4: {  	[dreg:$0x2] =	wrdreg s16  }
0xb5: {  	[dreg:$0x3] =	wrdreg s24  }
0xb6: {  	[dreg:$0x4] =	wrdreg $0x9  }
0xb7: {  	_ =	task.clear_ibuf [dreg:s7], $0x5FFFF;
	_ =	strace $0x90000046  }
0xb8: {  	s29 =	simm.s32 $0x9;
	_ =	strace $0x80000048  }
0xb9: {  	_ =	swait.ge [sflag:s29], $0x1  }
0xba: {  	[sflag:s29] =	ssyncadd.s32 $0xFFFFFFFF  }
0xbb: {  	_ =	strace $0x90000048  }
0xbc: {  	_ =	sfence  }
0xbd: {  	s30 =	sld [smem:$0x0];
	_ =	sdelay $0x2  }
0xbe: {  	s31 =	sshll.u32 s1, $0xD;
	s1 =	sshrl.u32 s1, $0x2  }
0xbf: {  	s3 =	sand.u32 $0x4000, s31;
	s1 =	sadd.s32 s1, s30  }
0xc0: {  	s0 =	sor.u32 s3, s0;
	s1 =	sshll.u32 s1, $0x11  }
0xc1: {  	s0 =	sor.u32 s1, s0  }
0xc2: {  	s0 =	sadd.s32 $0x8F2B, s0  }
0xc3: {  	[sflag:s0] =	ssyncadd.remote.s32 $0x1  }
0xc4: {  	_ =	sfence.sel $0xFFFF  }
0xc5: {  	[dreg:$0x0] =	wrdreg $0xFFFFFFFF;
	(pc) =	sbr.abs _section_cstart, $3  }
0xc6: {  	[dreg:$0x1] =	wrdreg $0xFFFFFFFF  }
0xc7: {  	_ =	task.clear_ibuf [dreg:s7], $0x2FFFF;
	_ =	strace $0x9FFFFFFF  }
0xc8: {  	(tm) =	ssettm $0x7FFFFFFF  }
0xc9: {  	_ =	shalt  }
tec
execute0_lowered:
.L_overlay_start_1:
0x0: {  	(tag) =	ssettag $0x1  }
0x1: {  	s2 =	rddreg [dreg:$0x0];
	s1 =	srdreg.scid  }
0x2: {  	s0 =	stileid.u32;
	s6 =	rddreg [dreg:$0x1];
	s3 =	simm.s32 $0x0  }
0x3: {  	s13 =	simm.s32 $0x100;
	s14 =	simm.s32 $0x2100;
	s15 =	simm.s32 $0x1100  }
0x4: {  	s16 =	simm.s32 $0x3100;
	s17 =	simm.s32 $0x1;
	s18 =	simm.s32 $0x2  }
0x5: {  	s19 =	simm.s32 $0x4100;
	s4 =	sand.u32 $0x1, s1;
	s1 =	rddreg [dreg:$0x2]  }
0x6: {  	s20 =	simm.s32 $0x0;
	s5 =	sshll.u32 s0, $0x1;
	[smem:$0x7FF] =	sst s3  }
0x7: {  	s8 =	sadd.s32 $0x8400, s6;
	s5 =	sor.u32 s4, s5;
	_ =	strace $0x80000047  }
0x8: {  	s4 =	ssub.s32 $0x2, s4;
	s7 =	sshll.u32 s5, $0x5;
	s9 =	sshll.u32 s5, $0x1  }
0x9: {  	s10 =	sshrl.u32 s4, $0x1;
	s11 =	sshll.u32 s5, $0xA;
	s7 =	sadd.s32 s7, s6  }
0xa: {  	s9 =	sadd.s32 s9, s6;
	s10 =	ssub.s32 s4, s10;
	s12 =	sor.u32 $0x200, s11  }
0xb: {  	s5 =	sadd.s32 s6, s11;
	s4 =	sadd.s32 $0x8000, s7;
	s6 =	sadd.s32 s6, s12  }
0xc: {  	s7 =	sadd.s32 s8, s11;
	s8 =	sadd.s32 s8, s12;
	s9 =	sadd.s32 $0x10400, s9  }
0xd: {  	v0 =	vimm.f32 $0.0e+00;
	s10 =	smax.u32 s10, $0x1;
	s11 =	simm.s32 $0x3;
	s12 =	simm.s32 $0x80  }
.LBB2_1:
0xe: {  	[tilespmem:s3], [sflag:$0x3] =	stream.linear.gather [hbm4b:s4+s3], $0x100, $0x38;
	[tilespmem:$0x4110] =	vst v63  }
0xf: {  	_ =	swait.ge [sflag:s11], $0x100  }
0x10: {  	[sflag:s11] =	ssyncset.done $0x0  }
0x11: {  	[sflag:s11] =	ssyncadd.s32 $0xFFFFFF00  }
0x12: {  	[tilespmem:s13], [sflag:$0x1] =	stream.indirect.gather [hbm4b:s2+s12], $0x20, s3, s12, $0xb8;
	[tilespmem:$0x4110] =	vst v63  }
0x13: {  	_ = 	snop  }
0x14: {  	[tilespmem:s14], [sflag:$0x2] =	stream.linear.gather [hbm4b:s5+s3], $0x1000, $0x38;
	[tilespmem:$0x4110] =	vst v63  }
0x15: {  	_ = 	snop  }
0x16: {  	[tilespmem:s15], [sflag:$0x1] =	stream.indirect.gather [hbm4b:s2+s12], $0x20, s12, s12, $0xb8;
	[tilespmem:$0x4110] =	vst v63  }
0x17: {  	_ = 	snop  }
0x18: {  	[tilespmem:s16], [sflag:$0x2] =	stream.linear.gather [hbm4b:s6+s3], $0x1000, $0x38;
	[tilespmem:$0x4110] =	vst v63  }
0x19: {  	[tilespmem:$0x4100] =	vst v0  }
0x1a: {  	_ =	swait.ge [sflag:s17], $0x1000  }
0x1b: {  	[sflag:s17] =	ssyncset.done $0x0  }
0x1c: {  	[sflag:s17] =	ssyncadd.s32 $0xFFFFF000  }
0x1d: {  	_ =	swait.ge [sflag:s18], $0x1000  }
0x1e: {  	[sflag:s18] =	ssyncset.done $0x0  }
0x1f: {  	s21 =	simm.s32 $0x0;
	[sflag:s18] =	ssyncadd.s32 $0xFFFFF000  }
0x20: {  	v1 =	vld [tilespmem:s21+$0x2100]  }
0x21: {  	v2 =	vld [tilespmem:s21+$0x100];
	_ =	sdelay $0x3  }
0x22: {  	v3 =	vld [tilespmem:$0x4100]  }
0x23: {  	v2 =	vsub.f32 v2, v1;
	_ =	sdelay $0x1  }
0x24: {  	v4 =	vmul.f32 v2, v2;
	_ =	sdelay $0x1  }
0x25: {  	v3 =	vadd.f32 v4, v3  }
0x26: {  	v1 =	vadd.f32 v2, v1  }
0x27: {  	[tilespmem:$0x4100] =	vst v3  }
0x28: {  	[tilespmem:s21+$0x100] =	vst v1;
	v1 =	vld [tilespmem:s21+$0x2110]  }
0x29: {  	v2 =	vld [tilespmem:s21+$0x110];
	_ =	sdelay $0x3  }
0x2a: {  	v3 =	vld [tilespmem:$0x4100]  }
0x2b: {  	v2 =	vsub.f32 v2, v1;
	_ =	sdelay $0x1  }
0x2c: {  	v63 =	vmul.f32 v2, v2;
	_ =	sdelay $0x1  }
0x2d: {  	s22 =	simm.s32 $0x80;
	v1 =	vadd.f32 v2, v1;
	v2 =	vadd.f32 v63, v3  }
.LBB2_2:
0x2e: {  	p0 =	sne.s32 s22, $0x3F80;
	s23 =	smov.u32 s22;
	s22 =	sadd.s32 $0x80, s22  }
0x2f: {  	s23 =	sshra.s32 s23, $0x2;
	[tilespmem:$0x4100] =	vst v2  }
0x30: {  	v2 =	vld [tilespmem:s23+$0x2100];
	[tilespmem:s21+$0x110] =	vst v1;
	s21 =	smov.u32 s23  }
0x31: {  	v1 =	vld [tilespmem:s21+$0x100];
	_ =	sdelay $0x2  }
0x32: {  	v3 =	vld [tilespmem:$0x4100];
	_ =	sdelay $0x1  }
0x33: {  	v1 =	vsub.f32 v1, v2;
	_ =	sdelay $0x1  }
0x34: {  	v4 =	vmul.f32 v1, v1;
	v1 =	vadd.f32 v1, v2;
	_ =	sdelay $0x1  }
0x35: {  	v2 =	vadd.f32 v4, v3;
	_ =	sdelay $0x1  }
0x36: {  	[tilespmem:$0x4100] =	vst v2  }
0x37: {  	[tilespmem:s21+$0x100] =	vst v1;
	v1 =	vld [tilespmem:s21+$0x2110]  }
0x38: {  	v2 =	vld [tilespmem:s21+$0x110];
	_ =	sdelay $0x1  }
0x39: {  	v3 =	vld [tilespmem:$0x4100];
	_ =	sdelay $0x2  }
.Ltmp0:
0x3a: {  	v2 =	vsub.f32 v2, v1;
	(pc) =	sbr.rel @p0 .LBB2_2-.Ltmp0, $3  }
0x3b: {  	_ = 	snop  }
0x3c: {  	v4 =	vmul.f32 v2, v2;
	v1 =	vadd.f32 v2, v1;
	_ =	sdelay $0x1  }
0x3d: {  	v2 =	vadd.f32 v4, v3  }
0x3e: {  	_ = 	snop  }
0x3f: {  	[tilespmem:$0x4100] =	vst v2  }
0x40: {  	s31 =	simm.s32 $0x0;
	[tilespmem:s21+$0x110] =	vst v1  }
0x41: {  	[hbm4b:s7+s31] =	stream.linear.scatter [tilespmem:s13], [sflag:$0x3], $0x1000, $0x38;
	[tilespmem:$0x4110] =	vst v63  }
0x42: {  	_ =	swait.ge [sflag:s11], $0x1000  }
0x43: {  	[sflag:s11] =	ssyncset.done $0x0  }
0x44: {  	[sflag:s11] =	ssyncadd.s32 $0xFFFFF000  }
0x45: {  	_ =	swait.ge [sflag:s17], $0x1000  }
0x46: {  	[sflag:s17] =	ssyncset.done $0x0  }
0x47: {  	[sflag:s17] =	ssyncadd.s32 $0xFFFFF000  }
0x48: {  	_ =	swait.ge [sflag:s18], $0x1000  }
0x49: {  	[sflag:s18] =	ssyncset.done $0x0  }
0x4a: {  	s21 =	simm.s32 $0x0;
	[sflag:s18] =	ssyncadd.s32 $0xFFFFF000  }
0x4b: {  	v1 =	vld [tilespmem:s21+$0x3100]  }
0x4c: {  	v2 =	vld [tilespmem:s21+$0x1100];
	_ =	sdelay $0x3  }
0x4d: {  	v3 =	vld [tilespmem:$0x4100]  }
0x4e: {  	v2 =	vsub.f32 v2, v1;
	_ =	sdelay $0x1  }
0x4f: {  	v4 =	vmul.f32 v2, v2;
	_ =	sdelay $0x1  }
0x50: {  	v3 =	vadd.f32 v4, v3  }
0x51: {  	v1 =	vadd.f32 v2, v1  }
0x52: {  	[tilespmem:$0x4100] =	vst v3  }
0x53: {  	[tilespmem:s21+$0x1100] =	vst v1;
	v1 =	vld [tilespmem:s21+$0x3110]  }
0x54: {  	v2 =	vld [tilespmem:s21+$0x1110];
	_ =	sdelay $0x3  }
0x55: {  	v3 =	vld [tilespmem:$0x4100]  }
0x56: {  	v2 =	vsub.f32 v2, v1;
	_ =	sdelay $0x1  }
0x57: {  	v63 =	vmul.f32 v2, v2;
	_ =	sdelay $0x1  }
0x58: {  	s22 =	simm.s32 $0x80;
	v1 =	vadd.f32 v2, v1;
	v2 =	vadd.f32 v63, v3  }
.LBB2_4:
0x59: {  	p0 =	sne.s32 s22, $0x3F80;
	s23 =	smov.u32 s22;
	s22 =	sadd.s32 $0x80, s22  }
0x5a: {  	s23 =	sshra.s32 s23, $0x2;
	[tilespmem:$0x4100] =	vst v2  }
0x5b: {  	v2 =	vld [tilespmem:s23+$0x3100];
	[tilespmem:s21+$0x1110] =	vst v1;
	s21 =	smov.u32 s23  }
0x5c: {  	v1 =	vld [tilespmem:s21+$0x1100];
	_ =	sdelay $0x2  }
0x5d: {  	v3 =	vld [tilespmem:$0x4100];
	_ =	sdelay $0x1  }
0x5e: {  	v1 =	vsub.f32 v1, v2;
	_ =	sdelay $0x1  }
0x5f: {  	v4 =	vmul.f32 v1, v1;
	v1 =	vadd.f32 v1, v2;
	_ =	sdelay $0x1  }
0x60: {  	v2 =	vadd.f32 v4, v3;
	_ =	sdelay $0x1  }
0x61: {  	[tilespmem:$0x4100] =	vst v2  }
0x62: {  	[tilespmem:s21+$0x1100] =	vst v1;
	v1 =	vld [tilespmem:s21+$0x3110]  }
0x63: {  	v2 =	vld [tilespmem:s21+$0x1110];
	_ =	sdelay $0x1  }
0x64: {  	v3 =	vld [tilespmem:$0x4100];
	_ =	sdelay $0x2  }
.Ltmp1:
0x65: {  	v2 =	vsub.f32 v2, v1;
	(pc) =	sbr.rel @p0 .LBB2_4-.Ltmp1, $3  }
0x66: {  	_ = 	snop  }
0x67: {  	v4 =	vmul.f32 v2, v2;
	v1 =	vadd.f32 v2, v1;
	_ =	sdelay $0x1  }
0x68: {  	v2 =	vadd.f32 v4, v3  }
0x69: {  	_ = 	snop  }
0x6a: {  	[tilespmem:$0x4100] =	vst v2  }
0x6b: {  	[tilespmem:s21+$0x1110] =	vst v1  }
0x6c: {  	[hbm4b:s8+s3] =	stream.linear.scatter [tilespmem:s15], [sflag:$0x3], $0x1000, $0x38;
	[tilespmem:$0x4110] =	vst v63  }
0x6d: {  	s20 =	sadd.s32 $0x1, s20;
	_ =	swait.ge [sflag:s11], $0x1000  }
0x6e: {  	p0 =	sne.s32 s20, s10;
	[sflag:s11] =	ssyncset.done $0x0  }
.Ltmp2:
0x6f: {  	[sflag:s11] =	ssyncadd.s32 $0xFFFFF000;
	(pc) =	sbr.rel @p0 .LBB2_1-.Ltmp2, $4  }
0x70: {  	[hbm4b:s9+s3] =	stream.linear.scatter [tilespmem:s19], [sflag:$0x3], $0x10, $0x38;
	[tilespmem:$0x4110] =	vst v63  }
0x71: {  	_ =	swait.ge [sflag:s11], $0x10  }
0x72: {  	[sflag:s11] =	ssyncset.done $0x0  }
0x73: {  	[sflag:s11] =	ssyncadd.s32 $0xFFFFFFF0  }
0x74: {  	_ =	sfence.sel $0x180000  }
0x75: {  	[bflag:$0x0] =	sbarrier.arrive $0xFFFF  }
0x76: {  	p0 =	sne.s32 s0, $0x0;
	_ =	strace $0x90000047  }
0x77: {  	s0 =	sadd.s32 @!p0 $0x100000, s1;
	[bflag:$0x2] =	sbarrier.arrive $0xFFFF  }
0x78: {  	[sflag:s0] =	ssyncadd.tile.s32 @!p0 $0x1;
	_ =	shalt  }
.Lfunc_end2:
_tile_overlayer_lowered:
.L_overlay_start_2:
0x79: {  	(tag) =	ssettag $0x2  }
0x7a: {  	s0 =	rddreg [dreg:$0x0];
	s2 =	stileid.u32  }
0x7b: {  	s1 =	rddreg [dreg:$0x1];
	p0 =	sne.s32 s2, $0x0  }
0x7c: {  	s3 =	rddreg [dreg:$0x2];
	[bflag:$0x3] =	sbarrier.arrive $0xFFFF;
	s2 =	simm.s32 @!p0 $0x1C03  }
0x7d: {  	[timem:s3], [sflag:s2] =	dma.local @!p0 [hbm:s0], s1  }
0x7e: {  	s0 =	simm.s32 @!p0 $0x3  }
0x7f: {  	_ =	swait.ge @!p0 [sflag:s0], s1  }
0x80: {  	s1 =	ssub.s32 @!p0 $0x0, s1;
	[sflag:s0] =	ssyncset.done @!p0 $0x0  }
0x81: {  	[sflag:s0] =	ssyncadd.s32 @!p0 s1  }
0x82: {  	[bflag:$0x3] =	sbarrier.arrive $0xFFFF  }
0x83: {  	_ =	shalt  }

</sc_bundles>
